<compile_context>
chip_gen: v7x
topology: tpu7x:2x2x1
jax: 0.10.2.dev20260603
libtpu: 0.0.44.dev20260713+nightly
codegen_flags: <defaults>
</compile_context>

<pallas_src>
import jax
import jax.numpy as jnp
from jax import lax
from jax.experimental import pallas as pl
from jax.experimental.pallas import tpu as pltpu
from jax.experimental.pallas import tpu_sc as plsc

_N = 2001
_R = 512
_PAD = 2016
_CH = _PAD // 16


def _tc_body(t_ref, out_ref):
    pid = pl.program_id(0)
    R, C = out_ref.shape
    i = jax.lax.broadcasted_iota(jnp.int32, (R, C), 0) + pid * R
    j = jax.lax.broadcasted_iota(jnp.int32, (R, C), 1)
    i0 = i == 0
    j0 = j == 0
    i_odd = (i & 1) == 1
    j_odd = (j & 1) == 1
    same = jnp.logical_and(jnp.logical_and(i > 0, j > 0),
                           ((i - 1) >> 1) == ((j - 1) >> 1))
    near = jnp.logical_or(i0, same)

    def trow(rt):
        return jnp.where(
            j0, t_ref[rt, 0],
            jnp.where(near,
                      jnp.where(j_odd, t_ref[rt, 1], t_ref[rt, 2]),
                      jnp.where(j_odd, t_ref[rt, 3], t_ref[rt, 4])))

    out_ref[...] = jnp.where(i0, trow(0),
                             jnp.where(i_odd, trow(1), trow(2)))


def _sc_body(s_hbm, e_hbm, start_hbm, end_hbm, sv, ev, sbuf, ebuf, sems):
    lane = lax.iota(jnp.int32, 16)

    pltpu.sync_copy(s_hbm, sv)
    pltpu.sync_copy(e_hbm, ev)
    svec = sv[...]
    evec = ev[...]

    def vfull(x):
        return jnp.full((16,), x, jnp.float32)

    def fill(buf, vec):
        base = jnp.where((lane & 1) == 1, vfull(vec[1]), vfull(vec[2]))
        first = jnp.where(lane == 0, vfull(vec[0]), base)
        buf[pl.ds(0, 16)] = first

        def body(k, _):
            off = pl.multiple_of(k * 16, 16)
            buf[pl.ds(off, 16)] = base
            return 0

        lax.fori_loop(1, _CH, body, 0)

    wid = lax.axis_index("s") * 2 + lax.axis_index("c")

    @pl.when(wid == 0)
    def _():
        fill(sbuf, svec)
        pltpu.make_async_copy(sbuf.at[pl.ds(0, _N)], start_hbm,
                              sems.at[0]).start()

    @pl.when(wid == 1)
    def _():
        fill(ebuf, evec)
        pltpu.make_async_copy(ebuf.at[pl.ds(0, _N)], end_hbm,
                              sems.at[1]).start()

    @pl.when(wid == 0)
    def _():
        pltpu.make_async_copy(sbuf.at[pl.ds(0, _N)], start_hbm,
                              sems.at[0]).wait()

    @pl.when(wid == 1)
    def _():
        pltpu.make_async_copy(ebuf.at[pl.ds(0, _N)], end_hbm,
                              sems.at[1]).wait()


def kernel(test_reps, support_target, backoff_trans_mat,
           backoff_start_trans_mat, backoff_end_trans_mat,
           unfold_index, start_end_unfold_index):
    grid = (_N + _R - 1) // _R
    (trans,) = pl.pallas_call(
        _tc_body,
        grid=(grid,),
        in_specs=[pl.BlockSpec(memory_space=pltpu.SMEM)],
        out_specs=[pl.BlockSpec((_R, _N), lambda g: (g, 0))],
        out_shape=[jax.ShapeDtypeStruct((_N, _N), jnp.float32)],
    )(backoff_trans_mat)

    mesh = plsc.VectorSubcoreMesh(core_axis_name="c", subcore_axis_name="s",
                                  num_cores=2, num_subcores=16)
    sc = pl.kernel(
        _sc_body,
        out_type=[
            jax.ShapeDtypeStruct((_N,), jnp.float32),
            jax.ShapeDtypeStruct((_N,), jnp.float32),
        ],
        mesh=mesh,
        scratch_types=[
            pltpu.VMEM((16,), jnp.float32),
            pltpu.VMEM((16,), jnp.float32),
            pltpu.VMEM((_PAD,), jnp.float32),
            pltpu.VMEM((_PAD,), jnp.float32),
            pltpu.SemaphoreType.DMA((2,)),
        ],
    )
    spad = jnp.pad(backoff_start_trans_mat, (0, 13))
    epad = jnp.pad(backoff_end_trans_mat, (0, 13))
    start, end = sc(spad, epad)
    return trans, start, end

# --- scband reference (transcript-rebuilt; emitter-appended) ---
"""Pipeline reference for scband-few-shot-transition-scorer-19619410608597 (READ-ONLY COPY).

The authoritative reference and input builder live on the scoring server;
editing this copy changes nothing except your own understanding.
"""

import jax, jax.numpy as jnp
import numpy as np

NUM_TAGS = 2002

def build_unfold_index(num_tags):
    N = num_tags - 1
    r = np.arange(N).reshape(N, 1)
    c = np.arange(N).reshape(1, N)
    rt = np.where(r == 0, 0, np.where(r % 2 == 1, 1, 2))
    ct = np.where(c == 0, 0, np.where(c % 2 == 1, 1, 2))
    rb = np.where(r % 2 == 1, r, r - 1)
    cb = np.where(c % 2 == 1, c, c - 1)
    same = (rb == cb) & (r > 0) & (c > 0)
    slot = np.zeros((N, N), dtype=np.int64)
    slot = np.where((rt == 0) & (ct == 1), 1, slot)
    slot = np.where((rt == 0) & (ct == 2), 2, slot)
    slot = np.where((rt > 0) & (ct == 1) & same, 1, slot)
    slot = np.where((rt > 0) & (ct == 2) & same, 2, slot)
    slot = np.where((rt > 0) & (ct == 1) & (~same), 3, slot)
    slot = np.where((rt > 0) & (ct == 2) & (~same), 4, slot)
    iv = np.arange(15).reshape(3, 5)
    rt_full = np.broadcast_to(rt, (N, N))
    return iv[rt_full, slot].astype(np.int64)

def build_start_end_unfold_index(num_tags):
    N = num_tags - 1
    a = np.arange(N)
    return np.where(a == 0, 0, np.where(a % 2 == 1, 1, 2)).astype(np.int64)

def setup_inputs(seed: int = 0):
    key = jax.random.key(seed)
    k1, k2, k3, k4, k5 = jax.random.split(key, 5)
    test_reps = jax.random.normal(k1, (4, 128, 256), dtype=jnp.float32)
    support_target = jax.random.randint(k2, (4, 128), 0, NUM_TAGS)
    # xavier_normal for (3,5): std = sqrt(2/(fan_in+fan_out)) = sqrt(2/8) = 0.5
    backoff_trans_mat = 0.5 * jax.random.normal(k3, (3, 5), dtype=jnp.float32)
    backoff_start_trans_mat = 0.5 * jax.random.normal(k4, (3,), dtype=jnp.float32)
    backoff_end_trans_mat = 0.5 * jax.random.normal(k5, (3,), dtype=jnp.float32)
    unfold_index = jnp.asarray(build_unfold_index(NUM_TAGS))
    start_end_unfold_index = jnp.asarray(build_start_end_unfold_index(NUM_TAGS))
    return {
        'test_reps': test_reps,
        'support_target': support_target,
        'backoff_trans_mat': backoff_trans_mat,
        'backoff_start_trans_mat': backoff_start_trans_mat,
        'backoff_end_trans_mat': backoff_end_trans_mat,
        'unfold_index': unfold_index,
        'start_end_unfold_index': start_end_unfold_index,
    }

def reference(test_reps, support_target, backoff_trans_mat, backoff_start_trans_mat, backoff_end_trans_mat, unfold_index, start_end_unfold_index):
    # r == 1, normalizer None, scaler None: forward returns unfolded backoff transitions only.
    source_trans = jnp.take(backoff_trans_mat.reshape(-1), unfold_index)
    source_start_trans = jnp.take(backoff_start_trans_mat.reshape(-1), start_end_unfold_index)
    source_end_trans = jnp.take(backoff_end_trans_mat.reshape(-1), start_end_unfold_index)
    return (source_trans, source_start_trans, source_end_trans)

if __name__ == "__main__":
    import jax
    _d = setup_inputs()
    print(jax.jit(kernel)(*tuple(_d.values())))

</pallas_src>

<mosaic_0001>
#map = affine_map<(d0, d1) -> (0)>
module attributes {stable_mosaic.version = 14 : i64} {
  func.func @_sc_body(%arg0: i32, %arg1: i32, %arg2: memref<16xf32, #tpu.memory_space<hbm>>, %arg3: memref<16xf32, #tpu.memory_space<hbm>>, %arg4: memref<2001xf32, #tpu.memory_space<hbm>>, %arg5: memref<2001xf32, #tpu.memory_space<hbm>>, %arg6: memref<16xf32, #tpu.memory_space<vmem>>, %arg7: memref<16xf32, #tpu.memory_space<vmem>>, %arg8: memref<2016xf32, #tpu.memory_space<vmem>>, %arg9: memref<2016xf32, #tpu.memory_space<vmem>>, %arg10: memref<2x!tpu.dma_semaphore, #tpu.memory_space<semaphore_mem>>) attributes {dimension_semantics = [#tpu.dimension_semantics<core_parallel>, #tpu.dimension_semantics<subcore_parallel>], iteration_bounds = array<i64: 2, 16>, scalar_prefetch = 0 : i64, scratch_operands = 5 : i64, tpu.core_type = #tpu.core_type<sc_vector_subcore>, window_params = [{transform_indices = #map}, {transform_indices = #map}, {transform_indices = #map}, {transform_indices = #map}]} {
    %iota3A = tpu.iota {dimensions = array<i32: 0>} : vector<16xi32>
    "tpu.region"() ({
      %run_scoped3A = tpu.sem_alloc : memref<!tpu.dma_semaphore, #tpu.memory_space<semaphore_mem>>
      tpu.enqueue_dma source(%arg2 : memref<16xf32, #tpu.memory_space<hbm>>) target(%arg6 : memref<16xf32, #tpu.memory_space<vmem>>) target_semaphore(%run_scoped3A : memref<!tpu.dma_semaphore, #tpu.memory_space<semaphore_mem>>)
      tpu.wait_dma2 semaphore(%run_scoped3A : memref<!tpu.dma_semaphore, #tpu.memory_space<semaphore_mem>>) src(%arg2 : memref<16xf32, #tpu.memory_space<hbm>>) dst(%arg6 : memref<16xf32, #tpu.memory_space<vmem>>)
      tpu.yield
    }) : () -> ()
    "tpu.region"() ({
      %run_scoped3A = tpu.sem_alloc : memref<!tpu.dma_semaphore, #tpu.memory_space<semaphore_mem>>
      tpu.enqueue_dma source(%arg3 : memref<16xf32, #tpu.memory_space<hbm>>) target(%arg7 : memref<16xf32, #tpu.memory_space<vmem>>) target_semaphore(%run_scoped3A : memref<!tpu.dma_semaphore, #tpu.memory_space<semaphore_mem>>)
      tpu.wait_dma2 semaphore(%run_scoped3A : memref<!tpu.dma_semaphore, #tpu.memory_space<semaphore_mem>>) src(%arg3 : memref<16xf32, #tpu.memory_space<hbm>>) dst(%arg7 : memref<16xf32, #tpu.memory_space<vmem>>)
      tpu.yield
    }) : () -> ()
    %get3A = arith.constant 0 : index
    %get3A_0 = tpu.vector_load %arg6[%get3A] {strides = array<i32>} : memref<16xf32, #tpu.memory_space<vmem>>, vector<16xf32>,
    %get3A_1 = vector.shape_cast %get3A_0 : vector<16xf32> to vector<16xf32>
    %get3A_2 = arith.constant 0 : index
    %get3A_3 = tpu.vector_load %arg7[%get3A_2] {strides = array<i32>} : memref<16xf32, #tpu.memory_space<vmem>>, vector<16xf32>,
    %get3A_4 = vector.shape_cast %get3A_3 : vector<16xf32> to vector<16xf32>
    %mul3A = arith.constant 2 : i32
    %mul3A_5 = arith.muli %arg1, %mul3A : i32
    %add3A = arith.addi %mul3A_5, %arg0 : i32
    %eq3A = arith.constant 0 : i32
    %eq3A_6 = arith.cmpi eq, %add3A, %eq3A : i32
    %convert_element_type3A = arith.extui %eq3A_6 : i1 to i32
    %cond3A = arith.constant 0 : i32
    %cond3A_7 = arith.cmpi ne, %convert_element_type3A, %cond3A : i32
    scf.if %cond3A_7 {
      %and3A = arith.constant 1 : i32
      %and3A_23 = vector.broadcast %and3A : i32 to vector<16xi32>
      %and3A_24 = arith.andi %iota3A, %and3A_23 : vector<16xi32>
      %eq3A_25 = arith.constant 1 : i32
      %eq3A_26 = vector.broadcast %eq3A_25 : i32 to vector<16xi32>
      %eq3A_27 = arith.cmpi eq, %and3A_24, %eq3A_26 : vector<16xi32>
      %slice3A = vector.extract_strided_slice %get3A_1 {offsets = [1], sizes = [1], strides = [1]} : vector<16xf32> to vector<1xf32>
      %squeeze3A = vector.extract %slice3A[0] : f32 from vector<1xf32>
      %broadcast_in_dim3A = vector.broadcast %squeeze3A : f32 to vector<16xf32>
      %slice3A_28 = vector.extract_strided_slice %get3A_1 {offsets = [2], sizes = [1], strides = [1]} : vector<16xf32> to vector<1xf32>
      %squeeze3A_29 = vector.extract %slice3A_28[0] : f32 from vector<1xf32>
      %broadcast_in_dim3A_30 = vector.broadcast %squeeze3A_29 : f32 to vector<16xf32>
      %select_n3A = arith.select %eq3A_27, %broadcast_in_dim3A, %broadcast_in_dim3A_30 : vector<16xi1>, vector<16xf32>
      %eq3A_31 = arith.constant 0 : i32
      %eq3A_32 = vector.broadcast %eq3A_31 : i32 to vector<16xi32>
      %eq3A_33 = arith.cmpi eq, %iota3A, %eq3A_32 : vector<16xi32>
      %slice3A_34 = vector.extract_strided_slice %get3A_1 {offsets = [0], sizes = [1], strides = [1]} : vector<16xf32> to vector<1xf32>
      %squeeze3A_35 = vector.extract %slice3A_34[0] : f32 from vector<1xf32>
      %broadcast_in_dim3A_36 = vector.broadcast %squeeze3A_35 : f32 to vector<16xf32>
      %select_n3A_37 = arith.select %eq3A_33, %broadcast_in_dim3A_36, %select_n3A : vector<16xi1>, vector<16xf32>
      %swap3A = arith.constant 0 : index
      %swap3A_38 = tpu.vector_load %arg8[%swap3A] {strides = array<i32>} : memref<2016xf32, #tpu.memory_space<vmem>>, vector<16xf32>,
      %swap3A_39 = vector.shape_cast %swap3A_38 : vector<16xf32> to vector<16xf32>
      %swap3A_40 = vector.shape_cast %select_n3A_37 : vector<16xf32> to vector<16xf32>
      tpu.vector_store %arg8[%swap3A], %swap3A_40 {strides = array<i32>} : memref<2016xf32, #tpu.memory_space<vmem>>, vector<16xf32>,
      %scan3A = arith.constant 0 : i32
      %scan3A_41 = arith.constant 1 : i32
      %scan3A_42 = arith.constant 125 : i32
      %scan3A_43 = arith.addi %scan3A_41, %scan3A_42 : i32
      %scan3A_44 = arith.constant 1 : i32
      %scan3A_45 = scf.for %scan3A_53 = %scan3A_41 to %scan3A_43 step %scan3A_44 iter_args(%scan3A_54 = %scan3A) -> (i32)  : i32 {
        %mul3A_55 = arith.constant 16 : i32
        %mul3A_56 = arith.muli %scan3A_53, %mul3A_55 : i32
        %multiple_of3A = tpu.assume_multiple %mul3A_56, 16 : i32
        %swap3A_57 = arith.index_cast %multiple_of3A : i32 to index
        %swap3A_58 = tpu.vector_load %arg8[%swap3A_57] {strides = array<i32>} : memref<2016xf32, #tpu.memory_space<vmem>>, vector<16xf32>,
        %swap3A_59 = vector.shape_cast %swap3A_58 : vector<16xf32> to vector<16xf32>
        %swap3A_60 = vector.shape_cast %select_n3A : vector<16xf32> to vector<16xf32>
        tpu.vector_store %arg8[%swap3A_57], %swap3A_60 {strides = array<i32>} : memref<2016xf32, #tpu.memory_space<vmem>>, vector<16xf32>,
        %scan3A_61 = arith.constant 0 : i32
        scf.yield %scan3A_61 : i32
      }
      %scan3A_46 = arith.constant 125 : i32
      %dma_start3A = arith.constant 0 : i32
      %dma_start3A_47 = arith.constant 0 : i32
      %dma_start3A_48 = tpu.memref_slice %arg8[%dma_start3A_47] : memref<2016xf32, #tpu.memory_space<vmem>> -> memref<2001xf32, #tpu.memory_space<vmem>>
      %dma_start3A_49 = tpu.memref_slice %arg10[%dma_start3A] : memref<2x!tpu.dma_semaphore, #tpu.memory_space<semaphore_mem>> -> memref<1x!tpu.dma_semaphore, #tpu.memory_space<semaphore_mem>>
      %dma_start3A_50 = tpu.memref_squeeze %dma_start3A_49 : memref<1x!tpu.dma_semaphore, #tpu.memory_space<semaphore_mem>> -> memref<!tpu.dma_semaphore, #tpu.memory_space<semaphore_mem>>
      %dma_start3A_51 = arith.constant 0 : i32
      %dma_start3A_52 = tpu.memref_slice %arg8[%dma_start3A_51] : memref<2016xf32, #tpu.memory_space<vmem>> -> memref<2001xf32, #tpu.memory_space<vmem>>
      tpu.enqueue_dma source(%dma_start3A_52 : memref<2001xf32, #tpu.memory_space<vmem>>) target(%arg4 : memref<2001xf32, #tpu.memory_space<hbm>>) target_semaphore(%dma_start3A_50 : memref<!tpu.dma_semaphore, #tpu.memory_space<semaphore_mem>>)
    } else {
    }
    %eq3A_8 = arith.constant 1 : i32
    %eq3A_9 = arith.cmpi eq, %add3A, %eq3A_8 : i32
    %convert_element_type3A_10 = arith.extui %eq3A_9 : i1 to i32
    %cond3A_11 = arith.constant 0 : i32
    %cond3A_12 = arith.cmpi ne, %convert_element_type3A_10, %cond3A_11 : i32
    scf.if %cond3A_12 {
      %and3A = arith.constant 1 : i32
      %and3A_23 = vector.broadcast %and3A : i32 to vector<16xi32>
      %and3A_24 = arith.andi %iota3A, %and3A_23 : vector<16xi32>
      %eq3A_25 = arith.constant 1 : i32
      %eq3A_26 = vector.broadcast %eq3A_25 : i32 to vector<16xi32>
      %eq3A_27 = arith.cmpi eq, %and3A_24, %eq3A_26 : vector<16xi32>
      %slice3A = vector.extract_strided_slice %get3A_4 {offsets = [1], sizes = [1], strides = [1]} : vector<16xf32> to vector<1xf32>
      %squeeze3A = vector.extract %slice3A[0] : f32 from vector<1xf32>
      %broadcast_in_dim3A = vector.broadcast %squeeze3A : f32 to vector<16xf32>
      %slice3A_28 = vector.extract_strided_slice %get3A_4 {offsets = [2], sizes = [1], strides = [1]} : vector<16xf32> to vector<1xf32>
      %squeeze3A_29 = vector.extract %slice3A_28[0] : f32 from vector<1xf32>
      %broadcast_in_dim3A_30 = vector.broadcast %squeeze3A_29 : f32 to vector<16xf32>
      %select_n3A = arith.select %eq3A_27, %broadcast_in_dim3A, %broadcast_in_dim3A_30 : vector<16xi1>, vector<16xf32>
      %eq3A_31 = arith.constant 0 : i32
      %eq3A_32 = vector.broadcast %eq3A_31 : i32 to vector<16xi32>
      %eq3A_33 = arith.cmpi eq, %iota3A, %eq3A_32 : vector<16xi32>
      %slice3A_34 = vector.extract_strided_slice %get3A_4 {offsets = [0], sizes = [1], strides = [1]} : vector<16xf32> to vector<1xf32>
      %squeeze3A_35 = vector.extract %slice3A_34[0] : f32 from vector<1xf32>
      %broadcast_in_dim3A_36 = vector.broadcast %squeeze3A_35 : f32 to vector<16xf32>
      %select_n3A_37 = arith.select %eq3A_33, %broadcast_in_dim3A_36, %select_n3A : vector<16xi1>, vector<16xf32>
      %swap3A = arith.constant 0 : index
      %swap3A_38 = tpu.vector_load %arg9[%swap3A] {strides = array<i32>} : memref<2016xf32, #tpu.memory_space<vmem>>, vector<16xf32>,
      %swap3A_39 = vector.shape_cast %swap3A_38 : vector<16xf32> to vector<16xf32>
      %swap3A_40 = vector.shape_cast %select_n3A_37 : vector<16xf32> to vector<16xf32>
      tpu.vector_store %arg9[%swap3A], %swap3A_40 {strides = array<i32>} : memref<2016xf32, #tpu.memory_space<vmem>>, vector<16xf32>,
      %scan3A = arith.constant 0 : i32
      %scan3A_41 = arith.constant 1 : i32
      %scan3A_42 = arith.constant 125 : i32
      %scan3A_43 = arith.addi %scan3A_41, %scan3A_42 : i32
      %scan3A_44 = arith.constant 1 : i32
      %scan3A_45 = scf.for %scan3A_53 = %scan3A_41 to %scan3A_43 step %scan3A_44 iter_args(%scan3A_54 = %scan3A) -> (i32)  : i32 {
        %mul3A_55 = arith.constant 16 : i32
        %mul3A_56 = arith.muli %scan3A_53, %mul3A_55 : i32
        %multiple_of3A = tpu.assume_multiple %mul3A_56, 16 : i32
        %swap3A_57 = arith.index_cast %multiple_of3A : i32 to index
        %swap3A_58 = tpu.vector_load %arg9[%swap3A_57] {strides = array<i32>} : memref<2016xf32, #tpu.memory_space<vmem>>, vector<16xf32>,
        %swap3A_59 = vector.shape_cast %swap3A_58 : vector<16xf32> to vector<16xf32>
        %swap3A_60 = vector.shape_cast %select_n3A : vector<16xf32> to vector<16xf32>
        tpu.vector_store %arg9[%swap3A_57], %swap3A_60 {strides = array<i32>} : memref<2016xf32, #tpu.memory_space<vmem>>, vector<16xf32>,
        %scan3A_61 = arith.constant 0 : i32
        scf.yield %scan3A_61 : i32
      }
      %scan3A_46 = arith.constant 125 : i32
      %dma_start3A = arith.constant 1 : i32
      %dma_start3A_47 = arith.constant 0 : i32
      %dma_start3A_48 = tpu.memref_slice %arg9[%dma_start3A_47] : memref<2016xf32, #tpu.memory_space<vmem>> -> memref<2001xf32, #tpu.memory_space<vmem>>
      %dma_start3A_49 = tpu.memref_slice %arg10[%dma_start3A] : memref<2x!tpu.dma_semaphore, #tpu.memory_space<semaphore_mem>> -> memref<1x!tpu.dma_semaphore, #tpu.memory_space<semaphore_mem>>
      %dma_start3A_50 = tpu.memref_squeeze %dma_start3A_49 : memref<1x!tpu.dma_semaphore, #tpu.memory_space<semaphore_mem>> -> memref<!tpu.dma_semaphore, #tpu.memory_space<semaphore_mem>>
      %dma_start3A_51 = arith.constant 0 : i32
      %dma_start3A_52 = tpu.memref_slice %arg9[%dma_start3A_51] : memref<2016xf32, #tpu.memory_space<vmem>> -> memref<2001xf32, #tpu.memory_space<vmem>>
      tpu.enqueue_dma source(%dma_start3A_52 : memref<2001xf32, #tpu.memory_space<vmem>>) target(%arg5 : memref<2001xf32, #tpu.memory_space<hbm>>) target_semaphore(%dma_start3A_50 : memref<!tpu.dma_semaphore, #tpu.memory_space<semaphore_mem>>)
    } else {
    }
    %eq3A_13 = arith.constant 0 : i32
    %eq3A_14 = arith.cmpi eq, %add3A, %eq3A_13 : i32
    %convert_element_type3A_15 = arith.extui %eq3A_14 : i1 to i32
    %cond3A_16 = arith.constant 0 : i32
    %cond3A_17 = arith.cmpi ne, %convert_element_type3A_15, %cond3A_16 : i32
    scf.if %cond3A_17 {
      %dma_wait3A = arith.constant 0 : i32
      %dma_wait3A_23 = arith.constant 0 : i32
      %dma_wait3A_24 = tpu.memref_slice %arg8[%dma_wait3A_23] : memref<2016xf32, #tpu.memory_space<vmem>> -> memref<2001xf32, #tpu.memory_space<vmem>>
      %dma_wait3A_25 = tpu.memref_slice %arg10[%dma_wait3A] : memref<2x!tpu.dma_semaphore, #tpu.memory_space<semaphore_mem>> -> memref<1x!tpu.dma_semaphore, #tpu.memory_space<semaphore_mem>>
      %dma_wait3A_26 = tpu.memref_squeeze %dma_wait3A_25 : memref<1x!tpu.dma_semaphore, #tpu.memory_space<semaphore_mem>> -> memref<!tpu.dma_semaphore, #tpu.memory_space<semaphore_mem>>
      %dma_wait3A_27 = arith.constant 0 : i32
      %dma_wait3A_28 = tpu.memref_slice %arg8[%dma_wait3A_27] : memref<2016xf32, #tpu.memory_space<vmem>> -> memref<2001xf32, #tpu.memory_space<vmem>>
      tpu.wait_dma2 semaphore(%dma_wait3A_26 : memref<!tpu.dma_semaphore, #tpu.memory_space<semaphore_mem>>) src(%dma_wait3A_28 : memref<2001xf32, #tpu.memory_space<vmem>>) dst(%arg4 : memref<2001xf32, #tpu.memory_space<hbm>>)
    } else {
    }
    %eq3A_18 = arith.constant 1 : i32
    %eq3A_19 = arith.cmpi eq, %add3A, %eq3A_18 : i32
    %convert_element_type3A_20 = arith.extui %eq3A_19 : i1 to i32
    %cond3A_21 = arith.constant 0 : i32
    %cond3A_22 = arith.cmpi ne, %convert_element_type3A_20, %cond3A_21 : i32
    scf.if %cond3A_22 {
      %dma_wait3A = arith.constant 1 : i32
      %dma_wait3A_23 = arith.constant 0 : i32
      %dma_wait3A_24 = tpu.memref_slice %arg9[%dma_wait3A_23] : memref<2016xf32, #tpu.memory_space<vmem>> -> memref<2001xf32, #tpu.memory_space<vmem>>
      %dma_wait3A_25 = tpu.memref_slice %arg10[%dma_wait3A] : memref<2x!tpu.dma_semaphore, #tpu.memory_space<semaphore_mem>> -> memref<1x!tpu.dma_semaphore, #tpu.memory_space<semaphore_mem>>
      %dma_wait3A_26 = tpu.memref_squeeze %dma_wait3A_25 : memref<1x!tpu.dma_semaphore, #tpu.memory_space<semaphore_mem>> -> memref<!tpu.dma_semaphore, #tpu.memory_space<semaphore_mem>>
      %dma_wait3A_27 = arith.constant 0 : i32
      %dma_wait3A_28 = tpu.memref_slice %arg9[%dma_wait3A_27] : memref<2016xf32, #tpu.memory_space<vmem>> -> memref<2001xf32, #tpu.memory_space<vmem>>
      tpu.wait_dma2 semaphore(%dma_wait3A_26 : memref<!tpu.dma_semaphore, #tpu.memory_space<semaphore_mem>>) src(%dma_wait3A_28 : memref<2001xf32, #tpu.memory_space<vmem>>) dst(%arg5 : memref<2001xf32, #tpu.memory_space<hbm>>)
    } else {
    }
    return
  }
}

module attributes {stable_mosaic.version = 14 : i64} {
  func.func @_tc_body(%arg0: i32, %arg1: memref<3x5xf32, #tpu.memory_space<smem>>, %arg2: memref<512x2001xf32, #tpu.memory_space<vmem>>) attributes {dimension_semantics = [#tpu.dimension_semantics<arbitrary>], iteration_bounds = array<i64: 4>, scalar_prefetch = 0 : i64, scratch_operands = 0 : i64, tpu.core_type = #tpu.core_type<tc>, window_params = [{transform_indices = @transform_0, window_bounds = array<i64: 3, 5>}, {transform_indices = @transform_1, window_bounds = array<i64: 512, 2001>}]} {
    %iota3A = tpu.iota {dimensions = array<i32: 0>} : vector<512x2001xi32>
    %mul3A = arith.constant 512 : i32
    %mul3A_0 = arith.muli %arg0, %mul3A : i32
    %add3A = vector.broadcast %mul3A_0 : i32 to vector<512x2001xi32>
    %add3A_1 = arith.addi %iota3A, %add3A : vector<512x2001xi32>
    %iota3A_2 = tpu.iota {dimensions = array<i32: 1>} : vector<512x2001xi32>
    %eq3A = arith.constant 0 : i32
    %eq3A_3 = vector.broadcast %eq3A : i32 to vector<512x2001xi32>
    %eq3A_4 = arith.cmpi eq, %add3A_1, %eq3A_3 : vector<512x2001xi32>
    %eq3A_5 = arith.constant 0 : i32
    %eq3A_6 = vector.broadcast %eq3A_5 : i32 to vector<512x2001xi32>
    %eq3A_7 = arith.cmpi eq, %iota3A_2, %eq3A_6 : vector<512x2001xi32>
    %and3A = arith.constant 1 : i32
    %and3A_8 = vector.broadcast %and3A : i32 to vector<512x2001xi32>
    %and3A_9 = arith.andi %add3A_1, %and3A_8 : vector<512x2001xi32>
    %eq3A_10 = arith.constant 1 : i32
    %eq3A_11 = vector.broadcast %eq3A_10 : i32 to vector<512x2001xi32>
    %eq3A_12 = arith.cmpi eq, %and3A_9, %eq3A_11 : vector<512x2001xi32>
    %and3A_13 = arith.constant 1 : i32
    %and3A_14 = vector.broadcast %and3A_13 : i32 to vector<512x2001xi32>
    %and3A_15 = arith.andi %iota3A_2, %and3A_14 : vector<512x2001xi32>
    %eq3A_16 = arith.constant 1 : i32
    %eq3A_17 = vector.broadcast %eq3A_16 : i32 to vector<512x2001xi32>
    %eq3A_18 = arith.cmpi eq, %and3A_15, %eq3A_17 : vector<512x2001xi32>
    %gt3A = arith.constant 0 : i32
    %gt3A_19 = vector.broadcast %gt3A : i32 to vector<512x2001xi32>
    %gt3A_20 = arith.cmpi sgt, %add3A_1, %gt3A_19 : vector<512x2001xi32>
    %gt3A_21 = arith.constant 0 : i32
    %gt3A_22 = vector.broadcast %gt3A_21 : i32 to vector<512x2001xi32>
    %gt3A_23 = arith.cmpi sgt, %iota3A_2, %gt3A_22 : vector<512x2001xi32>
    %and3A_24 = arith.andi %gt3A_20, %gt3A_23 : vector<512x2001xi1>
    %sub3A = arith.constant 1 : i32
    %sub3A_25 = vector.broadcast %sub3A : i32 to vector<512x2001xi32>
    %sub3A_26 = arith.subi %add3A_1, %sub3A_25 : vector<512x2001xi32>
    %shift_right_arithmetic3A = arith.constant 1 : i32
    %shift_right_arithmetic3A_27 = vector.broadcast %shift_right_arithmetic3A : i32 to vector<512x2001xi32>
    %shift_right_arithmetic3A_28 = arith.shrsi %sub3A_26, %shift_right_arithmetic3A_27 : vector<512x2001xi32>
    %sub3A_29 = arith.constant 1 : i32
    %sub3A_30 = vector.broadcast %sub3A_29 : i32 to vector<512x2001xi32>
    %sub3A_31 = arith.subi %iota3A_2, %sub3A_30 : vector<512x2001xi32>
    %shift_right_arithmetic3A_32 = arith.constant 1 : i32
    %shift_right_arithmetic3A_33 = vector.broadcast %shift_right_arithmetic3A_32 : i32 to vector<512x2001xi32>
    %shift_right_arithmetic3A_34 = arith.shrsi %sub3A_31, %shift_right_arithmetic3A_33 : vector<512x2001xi32>
    %eq3A_35 = arith.cmpi eq, %shift_right_arithmetic3A_28, %shift_right_arithmetic3A_34 : vector<512x2001xi32>
    %and3A_36 = arith.andi %and3A_24, %eq3A_35 : vector<512x2001xi1>
    %or3A = arith.ori %eq3A_4, %and3A_36 : vector<512x2001xi1>
    %get3A = arith.constant 0 : index
    %get3A_37 = arith.constant 0 : index
    %get3A_38 = memref.load %arg1[%get3A, %get3A_37] : memref<3x5xf32, #tpu.memory_space<smem>>
    %get3A_39 = arith.constant 0 : index
    %get3A_40 = arith.constant 1 : index
    %get3A_41 = memref.load %arg1[%get3A_39, %get3A_40] : memref<3x5xf32, #tpu.memory_space<smem>>
    %get3A_42 = arith.constant 0 : index
    %get3A_43 = arith.constant 2 : index
    %get3A_44 = memref.load %arg1[%get3A_42, %get3A_43] : memref<3x5xf32, #tpu.memory_space<smem>>
    %broadcast_in_dim3A = vector.broadcast %get3A_41 : f32 to vector<512x2001xf32>
    %broadcast_in_dim3A_45 = vector.broadcast %get3A_44 : f32 to vector<512x2001xf32>
    %select_n3A = arith.select %eq3A_18, %broadcast_in_dim3A, %broadcast_in_dim3A_45 : vector<512x2001xi1>, vector<512x2001xf32>
    %get3A_46 = arith.constant 0 : index
    %get3A_47 = arith.constant 3 : index
    %get3A_48 = memref.load %arg1[%get3A_46, %get3A_47] : memref<3x5xf32, #tpu.memory_space<smem>>
    %get3A_49 = arith.constant 0 : index
    %get3A_50 = arith.constant 4 : index
    %get3A_51 = memref.load %arg1[%get3A_49, %get3A_50] : memref<3x5xf32, #tpu.memory_space<smem>>
    %broadcast_in_dim3A_52 = vector.broadcast %get3A_48 : f32 to vector<512x2001xf32>
    %broadcast_in_dim3A_53 = vector.broadcast %get3A_51 : f32 to vector<512x2001xf32>
    %select_n3A_54 = arith.select %eq3A_18, %broadcast_in_dim3A_52, %broadcast_in_dim3A_53 : vector<512x2001xi1>, vector<512x2001xf32>
    %select_n3A_55 = arith.select %or3A, %select_n3A, %select_n3A_54 : vector<512x2001xi1>, vector<512x2001xf32>
    %broadcast_in_dim3A_56 = vector.broadcast %get3A_38 : f32 to vector<512x2001xf32>
    %select_n3A_57 = arith.select %eq3A_7, %broadcast_in_dim3A_56, %select_n3A_55 : vector<512x2001xi1>, vector<512x2001xf32>
    %get3A_58 = arith.constant 1 : index
    %get3A_59 = arith.constant 0 : index
    %get3A_60 = memref.load %arg1[%get3A_58, %get3A_59] : memref<3x5xf32, #tpu.memory_space<smem>>
    %get3A_61 = arith.constant 1 : index
    %get3A_62 = arith.constant 1 : index
    %get3A_63 = memref.load %arg1[%get3A_61, %get3A_62] : memref<3x5xf32, #tpu.memory_space<smem>>
    %get3A_64 = arith.constant 1 : index
    %get3A_65 = arith.constant 2 : index
    %get3A_66 = memref.load %arg1[%get3A_64, %get3A_65] : memref<3x5xf32, #tpu.memory_space<smem>>
    %broadcast_in_dim3A_67 = vector.broadcast %get3A_63 : f32 to vector<512x2001xf32>
    %broadcast_in_dim3A_68 = vector.broadcast %get3A_66 : f32 to vector<512x2001xf32>
    %select_n3A_69 = arith.select %eq3A_18, %broadcast_in_dim3A_67, %broadcast_in_dim3A_68 : vector<512x2001xi1>, vector<512x2001xf32>
    %get3A_70 = arith.constant 1 : index
    %get3A_71 = arith.constant 3 : index
    %get3A_72 = memref.load %arg1[%get3A_70, %get3A_71] : memref<3x5xf32, #tpu.memory_space<smem>>
    %get3A_73 = arith.constant 1 : index
    %get3A_74 = arith.constant 4 : index
    %get3A_75 = memref.load %arg1[%get3A_73, %get3A_74] : memref<3x5xf32, #tpu.memory_space<smem>>
    %broadcast_in_dim3A_76 = vector.broadcast %get3A_72 : f32 to vector<512x2001xf32>
    %broadcast_in_dim3A_77 = vector.broadcast %get3A_75 : f32 to vector<512x2001xf32>
    %select_n3A_78 = arith.select %eq3A_18, %broadcast_in_dim3A_76, %broadcast_in_dim3A_77 : vector<512x2001xi1>, vector<512x2001xf32>
    %select_n3A_79 = arith.select %or3A, %select_n3A_69, %select_n3A_78 : vector<512x2001xi1>, vector<512x2001xf32>
    %broadcast_in_dim3A_80 = vector.broadcast %get3A_60 : f32 to vector<512x2001xf32>
    %select_n3A_81 = arith.select %eq3A_7, %broadcast_in_dim3A_80, %select_n3A_79 : vector<512x2001xi1>, vector<512x2001xf32>
    %get3A_82 = arith.constant 2 : index
    %get3A_83 = arith.constant 0 : index
    %get3A_84 = memref.load %arg1[%get3A_82, %get3A_83] : memref<3x5xf32, #tpu.memory_space<smem>>
    %get3A_85 = arith.constant 2 : index
    %get3A_86 = arith.constant 1 : index
    %get3A_87 = memref.load %arg1[%get3A_85, %get3A_86] : memref<3x5xf32, #tpu.memory_space<smem>>
    %get3A_88 = arith.constant 2 : index
    %get3A_89 = arith.constant 2 : index
    %get3A_90 = memref.load %arg1[%get3A_88, %get3A_89] : memref<3x5xf32, #tpu.memory_space<smem>>
    %broadcast_in_dim3A_91 = vector.broadcast %get3A_87 : f32 to vector<512x2001xf32>
    %broadcast_in_dim3A_92 = vector.broadcast %get3A_90 : f32 to vector<512x2001xf32>
    %select_n3A_93 = arith.select %eq3A_18, %broadcast_in_dim3A_91, %broadcast_in_dim3A_92 : vector<512x2001xi1>, vector<512x2001xf32>
    %get3A_94 = arith.constant 2 : index
    %get3A_95 = arith.constant 3 : index
    %get3A_96 = memref.load %arg1[%get3A_94, %get3A_95] : memref<3x5xf32, #tpu.memory_space<smem>>
    %get3A_97 = arith.constant 2 : index
    %get3A_98 = arith.constant 4 : index
    %get3A_99 = memref.load %arg1[%get3A_97, %get3A_98] : memref<3x5xf32, #tpu.memory_space<smem>>
    %broadcast_in_dim3A_100 = vector.broadcast %get3A_96 : f32 to vector<512x2001xf32>
    %broadcast_in_dim3A_101 = vector.broadcast %get3A_99 : f32 to vector<512x2001xf32>
    %select_n3A_102 = arith.select %eq3A_18, %broadcast_in_dim3A_100, %broadcast_in_dim3A_101 : vector<512x2001xi1>, vector<512x2001xf32>
    %select_n3A_103 = arith.select %or3A, %select_n3A_93, %select_n3A_102 : vector<512x2001xi1>, vector<512x2001xf32>
    %broadcast_in_dim3A_104 = vector.broadcast %get3A_84 : f32 to vector<512x2001xf32>
    %select_n3A_105 = arith.select %eq3A_7, %broadcast_in_dim3A_104, %select_n3A_103 : vector<512x2001xi1>, vector<512x2001xf32>
    %select_n3A_106 = arith.select %eq3A_12, %select_n3A_81, %select_n3A_105 : vector<512x2001xi1>, vector<512x2001xf32>
    %select_n3A_107 = arith.select %eq3A_4, %select_n3A_57, %select_n3A_106 : vector<512x2001xi1>, vector<512x2001xf32>
    %swap3A = arith.constant 0 : index
    %swap3A_108 = arith.constant 0 : index
    %swap3A_109 = vector.load %arg2[%swap3A, %swap3A_108] : memref<512x2001xf32, #tpu.memory_space<vmem>>, vector<512x2001xf32>
    tpu.vector_store %arg2[%swap3A, %swap3A_108], %select_n3A_107 {strides = array<i32>} : memref<512x2001xf32, #tpu.memory_space<vmem>>, vector<512x2001xf32>,
    return
  }
  func.func @transform_0(%arg0: i32) -> (i32, i32) {
    %c0_i32 = arith.constant 0 : i32
    %c0_i32_0 = arith.constant 0 : i32
    %c0_i32_1 = arith.constant 0 : i32
    return %c0_i32, %c0_i32_0 : i32, i32
  }
  func.func @transform_1(%arg0: i32) -> (i32, i32) {
    %c0_i32 = arith.constant 0 : i32
    %c0_i32_0 = arith.constant 0 : i32
    return %arg0, %c0_i32 : i32, i32
  }
}

</mosaic_0001>

<sc_bundles>
// kernel: kernel.4.cloned.1.call-start
scs
__scs_entry_jumppad:
0x0: {  	(pc) =	sbr.rel $0x88, $3  }
0x1: {  	(tag) =	ssettag $0x0;
	lr =	simm.s32 $0x1  }
0x2: {  	[smem:$0x3F9E] =	sst lr;
	_ =	strace $0xD0000000  }
0x3: {  	_ = 	snop  }
0x4: {  	_ = 	snop  }
0x5: {  	_ = 	snop  }
0x6: {  	_ = 	snop  }
0x7: {  	_ = 	snop  }
__scs_overlays_trampoline_lowered:
0x8: {  	[smem:$0x3FAD] =	sst s0  }
0x9: {  	[smem:$0x3FAE] =	sst s1  }
0xa: {  	[smem:$0x3FAF] =	sst s2  }
0xb: {  	[smem:$0x3FB0] =	sst s3  }
0xc: {  	[smem:$0x3FB1] =	sst s4  }
0xd: {  	[smem:$0x3FB2] =	sst s5  }
0xe: {  	[smem:$0x3FB3] =	sst s6  }
0xf: {  	[smem:$0x3FB4] =	sst s7  }
0x10: {  	[smem:$0x3FB5] =	sst s8  }
0x11: {  	[smem:$0x3FB6] =	sst s9;
	s0 =	simm.s32 @!p0 $0x0  }
0x12: {  	s1 =	sld [smem:$0x3F9C];
	s0 =	simm.s32 @p0 $0x1  }
0x13: {  	[smem:$0x3FB7] =	sst s0;
	s0 =	simm.s32 @!p1 $0x0  }
0x14: {  	s2 =	sld [smem:$0x3F9B];
	s0 =	simm.s32 @p1 $0x1  }
0x15: {  	[smem:$0x3FB8] =	sst s0;
	s0 =	simm.s32 @!p2 $0x0  }
0x16: {  	s3 =	sld [smem:$0x3FDB];
	s0 =	simm.s32 @p2 $0x1  }
0x17: {  	s4 =	simm.s32 $0x1BF5;
	[smem:$0x3FBA] =	sst s0  }
0x18: {  	s0 =	sld [smem:$0x3F9D];
	_ =	swait.ge [sflag:s4], $0x0  }
0x19: {  	s7 =	sld [smem:$0x3F9E]  }
0x1a: {  	s8 =	sadd.s32 $0xFFFFE003, lr  }
0x1b: {  	s9 =	sadd.s32 $0xFFFFFEF7, lr;
	s5 =	simm.s32 $0xFFFFFFFF;
	p2 =	slt.u32 s8, $0xFFFFF086  }
0x1c: {  	p1 =	slt.u32 s9, $0xF7A;
	s5 =	simm.s32 @!p2 $0x0  }
0x1d: {  	s5 =	simm.s32 @p1 $0x1;
	p0 =	seq.s32 s7, s2  }
0x1e: {  	s7 =	smul.u32 @!p0 $0xF7A, s2;
	p2 =	seq.s32 @!p0 s5, $0x0  }
0x1f: {  	s9 =	smul.u32 $0xF7A, s1;
	s8 =	simm.s32 @!p0 $0x1BF5;
	p2 =	por !p2, p0  }
0x20: {  	[sflag:s8] =	ssyncset.s32 @!p0 $0xFFFFF086;
	s6 =	sadd.s32 @!p0 s3, s7;
	s7 =	simm.s32 @!p0 $0x108  }
0x21: {  	s3 =	sadd.s32 s3, s9;
	s6 =	sadd.s32 @!p0 $0x88, s6;
	s7 =	simm.s32 @p2 $0x1082  }
0x22: {  	[simem:s7], [sflag:s8] =	dma.local @!p0 [hbm:s6], $0xF7A  }
0x23: {  	s9 =	sor.u32 $0xD0000000, s2;
	s6 =	simm.s32 $0x108;
	_ =	swait.ge @!p0 [sflag:s8], $0x0  }
0x24: {  	s3 =	sadd.s32 $0x88, s3;
	s6 =	simm.s32 @!p1 $0x1082;
	[sflag:s4] =	ssyncset.s32 $0xFFFFF086  }
0x25: {  	[simem:s6], [sflag:s4] =	dma.local [hbm:s3], $0xF7A  }
0x26: {  	[smem:$0x3F9E] =	sst s1;
	(tag) =	ssettag s2;
	_ =	strace s9  }
0x27: {  	s1 =	sld [smem:$0x3FAE]  }
0x28: {  	s2 =	sld [smem:$0x3FAF]  }
0x29: {  	s4 =	sld [smem:$0x3FB1]  }
0x2a: {  	p0 =	seq.s32 s5, $0x0;
	s5 =	sld [smem:$0x3FB2]  }
0x2b: {  	s6 =	sld [smem:$0x3FB3]  }
0x2c: {  	s7 =	sld [smem:$0x3FB4]  }
0x2d: {  	s3 =	simm.s32 $0x108;
	s8 =	sld [smem:$0x3FB5]  }
0x2e: {  	s3 =	simm.s32 @!p0 $0x1082;
	s9 =	sld [smem:$0x3FB6]  }
0x2f: {  	lr =	sadd.s32 s0, s3;
	s0 =	sld [smem:$0x3FAD]  }
0x30: {  	s3 =	sld [smem:$0x3FB0]  }
0x31: {  	[smem:$0x3FB9] =	sst s10  }
0x32: {  	s10 =	sld [smem:$0x3FB7];
	_ =	sdelay $0x3  }
0x33: {  	p0 =	seq.s32 s10, $0x1;
	s10 =	sld [smem:$0x3FB9];
	_ =	sdelay $0x3  }
0x34: {  	[smem:$0x3FB9] =	sst s10  }
0x35: {  	s10 =	sld [smem:$0x3FB8];
	_ =	sdelay $0x3  }
0x36: {  	p1 =	seq.s32 s10, $0x1;
	s10 =	sld [smem:$0x3FB9];
	_ =	sdelay $0x3  }
0x37: {  	[smem:$0x3FB9] =	sst s10  }
0x38: {  	s10 =	sld [smem:$0x3FBA]  }
0x39: {  	_ = 	snop;
	(pc) =	sbr.ind lr, $3  }
0x3a: {  	_ = 	snop  }
0x3b: {  	_ = 	snop  }
0x3c: {  	p2 =	seq.s32 s10, $0x1;
	s10 =	sld [smem:$0x3FB9]  }
0x3d: {  	_ =	shalt  }
0x3e: {  	_ =	shalt  }
0x3f: {  	_ =	shalt  }
0x40: {  	_ =	shalt  }
0x41: {  	_ =	shalt  }
0x42: {  	_ =	shalt  }
0x43: {  	_ =	shalt  }
0x44: {  	_ =	shalt  }
0x45: {  	_ =	shalt  }
0x46: {  	_ =	shalt  }
0x47: {  	_ =	shalt  }
0x48: {  	_ =	shalt  }
0x49: {  	_ =	shalt  }
0x4a: {  	_ =	shalt  }
0x4b: {  	_ =	shalt  }
0x4c: {  	_ =	shalt  }
0x4d: {  	_ =	shalt  }
0x4e: {  	_ =	shalt  }
0x4f: {  	_ =	shalt  }
0x50: {  	_ =	shalt  }
0x51: {  	_ =	shalt  }
0x52: {  	_ =	shalt  }
0x53: {  	_ =	shalt  }
0x54: {  	_ =	shalt  }
0x55: {  	_ =	shalt  }
0x56: {  	_ =	shalt  }
0x57: {  	_ =	shalt  }
0x58: {  	_ =	shalt  }
0x59: {  	_ =	shalt  }
0x5a: {  	_ =	shalt  }
0x5b: {  	_ =	shalt  }
0x5c: {  	_ =	shalt  }
0x5d: {  	_ =	shalt  }
0x5e: {  	_ =	shalt  }
0x5f: {  	_ =	shalt  }
0x60: {  	_ =	shalt  }
0x61: {  	_ =	shalt  }
0x62: {  	_ =	shalt  }
0x63: {  	_ =	shalt  }
0x64: {  	_ =	shalt  }
0x65: {  	_ =	shalt  }
0x66: {  	_ =	shalt  }
0x67: {  	_ =	shalt  }
0x68: {  	_ =	shalt  }
0x69: {  	_ =	shalt  }
0x6a: {  	_ =	shalt  }
0x6b: {  	_ =	shalt  }
0x6c: {  	_ =	shalt  }
0x6d: {  	_ =	shalt  }
0x6e: {  	_ =	shalt  }
0x6f: {  	_ =	shalt  }
0x70: {  	_ =	shalt  }
0x71: {  	_ =	shalt  }
0x72: {  	_ =	shalt  }
0x73: {  	_ =	shalt  }
0x74: {  	_ =	shalt  }
0x75: {  	_ =	shalt  }
0x76: {  	_ =	shalt  }
0x77: {  	_ =	shalt  }
0x78: {  	_ =	shalt  }
0x79: {  	_ =	shalt  }
0x7a: {  	_ =	shalt  }
0x7b: {  	_ =	shalt  }
0x7c: {  	_ =	shalt  }
0x7d: {  	_ =	shalt  }
0x7e: {  	_ =	shalt  }
0x7f: {  	_ =	shalt  }
0x80: {  	_ =	shalt  }
0x81: {  	_ =	shalt  }
0x82: {  	_ =	shalt  }
0x83: {  	_ =	shalt  }
0x84: {  	_ =	shalt  }
0x85: {  	_ =	shalt  }
0x86: {  	_ =	shalt  }
0x87: {  	_ =	shalt  }
.Lfunc_end0:
.L_simem_size_0:
called_computation_lowered:
.L_overlay_start_0:
0x88: {  	s2 =	sld [smem:$0x3FD9]  }
0x89: {  	s3 =	sld [smem:$0x3FFE];
	_ =	sdelay $0x1  }
0x8a: {  	s1 =	srdreg.scid  }
0x8b: {  	s0 =	sand.u32 $0x1, s1  }
0x8c: {  	s14 =	sshll.u32 s0, $0xA;
	s2 =	sadd.s32 s3, s2  }
0x8d: {  	s2 =	sadd.s32 s2, s14  }
0x8e: {  	[smem:$0x3FC5] =	sst s2  }
0x8f: {  	_ = 	snop  }
0x90: {  	s2 =	sld [smem:$0x3FD0];
	_ =	sdelay $0x2  }
0x91: {  	s15 =	simm.s32 $0xA;
	s4 =	simm.s32 $0x10  }
0x92: {  	[smem:s4], [sflag:s15] =	dma.local [hbm:s2], $0x1  }
0x93: {  	_ =	swait.eq [sflag:s15], $0x1  }
0x94: {  	[sflag:s15] =	ssyncset.done $0x0  }
0x95: {  	s16 =	sld [smem:$0x11];
	[sflag:s15] =	ssyncadd.s32 $0xFFFFFFFF  }
0x96: {  	s17 =	sld [smem:$0x12];
	(tm) =	ssettm $0x1  }
0x97: {  	s18 =	sld [smem:$0x3FFB];
	_ =	sdelay $0x3  }
0x98: {  	_ =	strace s18  }
0x99: {  	s4 =	sld [smem:$0x3FFC];
	_ =	sdelay $0x3  }
0x9a: {  	_ =	strace s4  }
0x9b: {  	s4 =	sld [smem:$0x3FFD];
	_ =	sdelay $0x3  }
0x9c: {  	_ =	strace s4  }
0x9d: {  	_ =	strace $0x8FFFFFFF  }
0x9e: {  	s19 =	sld [smem:$0x3FDB];
	_ =	sdelay $0x1  }
0x9f: {  	s5 =	simm.s32 $_scs_section_size  }
0xa0: {  	s6 =	simm.s32 $_size__tile_overlayer_lowered;
	s7 =	simm.s32 $_tile_overlayer_lowered  }
0xa1: {  	s22 =	simm.s32 $0x1BFF;
	s21 =	sshll.u32 s7, $0x1;
	s4 =	sadd.s32 s5, s19  }
0xa2: {  	s8 =	simm.s32 $0x0;
	s20 =	sshll.u32 s6, $0x1;
	s6 =	sadd.s32 s21, s4  }
0xa3: {  	[timem:s8], [sflag:s22] =	dma.local [hbm:s6], s20  }
0xa4: {  	_ =	swait.ge [sflag:s22], s20  }
0xa5: {  	s5 =	ssub.s32 $0x0, s20;
	[sflag:s22] =	ssyncset.done $0x0  }
0xa6: {  	[sflag:s22] =	ssyncadd.s32 s5;
	_ =	sdelay $0x1  }
0xa7: {  	s23 =	simm.s32 $0x1B8B  }
0xa8: {  	_ =	swait.ge [sflag:s23], $0x1  }
0xa9: {  	[sflag:s23] =	ssyncset.done $0x0  }
0xaa: {  	s25 =	simm.s32 $0x1B8E;
	s24 =	sld [smem:$0x3FFE];
	[sflag:s23] =	ssyncadd.s32 $0xFFFFFFFF  }
0xab: {  	s26 =	simm.s32 $execute0_lowered;
	[smem:$0x3FD2] =	sst s25  }
0xac: {  	s6 =	sshll.u32 s26, $0x1;
	_ =	strace $0x80000046;
	[dreg:$0x1] =	wrdreg $0xFFFFFFFF  }
0xad: {  	s28 =	simm.s32 $_size_execute0_lowered;
	s4 =	sadd.s32 s4, s6;
	[dreg:$0x0] =	wrdreg $0x0  }
0xae: {  	s6 =	sshll.u32 s28, $0x1;
	[dreg:$0x2] =	wrdreg s4  }
0xaf: {  	[dreg:$0x3] =	wrdreg s6  }
0xb0: {  	[dreg:$0x4] =	wrdreg $0xC0  }
0xb1: {  	_ =	task [dreg:s8], $0x5FFFF  }
0xb2: {  	[dreg:$0x1] =	wrdreg $0xFFFFFFFF  }
0xb3: {  	[dreg:$0x0] =	wrdreg $0x60  }
0xb4: {  	[dreg:$0x2] =	wrdreg s24  }
0xb5: {  	[dreg:$0x3] =	wrdreg s16  }
0xb6: {  	[dreg:$0x4] =	wrdreg s17  }
0xb7: {  	[dreg:$0x5] =	wrdreg $0x9  }
0xb8: {  	_ =	task.clear_ibuf [dreg:s8], $0x6FFFF;
	_ =	strace $0x90000046  }
0xb9: {  	s29 =	simm.s32 $0x9;
	_ =	strace $0x80000048  }
0xba: {  	_ =	swait.ge [sflag:s29], $0x1  }
0xbb: {  	[sflag:s29] =	ssyncadd.s32 $0xFFFFFFFF  }
0xbc: {  	_ =	strace $0x90000048  }
0xbd: {  	_ =	sfence  }
0xbe: {  	s30 =	sld [smem:$0x0];
	_ =	sdelay $0x2  }
0xbf: {  	s31 =	sshll.u32 s1, $0xD;
	s1 =	sshrl.u32 s1, $0x2  }
0xc0: {  	s3 =	sand.u32 $0x4000, s31;
	s1 =	sadd.s32 s1, s30  }
0xc1: {  	s0 =	sor.u32 s3, s0;
	s1 =	sshll.u32 s1, $0x11  }
0xc2: {  	s0 =	sor.u32 s1, s0  }
0xc3: {  	s0 =	sadd.s32 $0x8F2B, s0  }
0xc4: {  	[sflag:s0] =	ssyncadd.remote.s32 $0x1  }
0xc5: {  	_ =	sfence.sel $0xFFFF  }
0xc6: {  	[dreg:$0x0] =	wrdreg $0xFFFFFFFF;
	(pc) =	sbr.abs _section_cstart, $3  }
0xc7: {  	[dreg:$0x1] =	wrdreg $0xFFFFFFFF  }
0xc8: {  	_ =	task.clear_ibuf [dreg:s8], $0x2FFFF;
	_ =	strace $0x9FFFFFFF  }
0xc9: {  	(tm) =	ssettm $0x7FFFFFFF  }
tec
execute0_lowered:
.L_overlay_start_1:
0x0: {  	(tag) =	ssettag $0x1  }
0x1: {  	s5 =	rddreg [dreg:$0x0]  }
0x2: {  	s1 =	rddreg [dreg:$0x1]  }
0x3: {  	s2 =	rddreg [dreg:$0x2];
	s3 =	srdreg.scid;
	vm0 =	vcmask $0xB08;
	vm1 =	vcmask $0x300  }
0x4: {  	s0 =	rddreg [dreg:$0x3];
	_ =	strace $0x80000047;
	s10 =	simm.s32 $0x900;
	vm0 =	vmor vm1, vm0;
	vm1 =	vcmask $0x1310  }
0x5: {  	s12 =	simm.s32 $0x0;
	s6 =	sand.u32 $0x1, s3;
	s3 =	stileid.u32;
	vm0 =	vmor vm0, vm1;
	vm1 =	vcmask $0x1B18  }
.Ltmp0:
0x6: {  	s4 =	sadd.s32 $0xA00, s5;
	s7 =	ssub.s32 $0x2, s6;
	vm0 =	vmor vm0, vm1;
	vm1 =	vcmask $0x2320;
	(pc) =	sbr.rel .LBB2_1-.Ltmp0, $4  }
0x7: {  	s5 =	sadd.s32 $0xC00, s5;
	s9 =	sshll.u32 s3, $0x1;
	s8 =	sshrl.u32 s7, $0x1;
	vm0 =	vmor vm0, vm1;
	vm1 =	vcmask $0x2B28  }
0x8: {  	s11 =	sor.u32 s6, s9;
	s9 =	simm.s32 $0x80;
	s7 =	ssub.s32 s7, s8;
	vm0 =	vmor vm0, vm1;
	vm1 =	vcmask $0x3330  }
0x9: {  	s8 =	simm.s32 $0x3;
	p0 =	seq.s32 s11, $0x1;
	p1 =	sne.s32 s11, $0x0;
	vm0 =	vmor vm0, vm1;
	vm1 =	vcmask $0x3B38  }
0xa: {  	s11 =	simm.s32 $0x100;
	s6 =	smax.u32 s7, $0x1;
	s7 =	simm.s32 $0x0;
	vm0 =	vmor vm0, vm1;
	vm1 =	vmmov $0x1  }
.LBB2_9:
0xb: {  	_ =	swait.ge [sflag:s13], $0x7D1  }
0xc: {  	[sflag:s13] =	ssyncset.done $0x0  }
0xd: {  	[sflag:s13] =	ssyncadd.s32 $0xFFFFF82F  }
.LBB2_10:
0xe: {  	s12 =	sadd.s32 $0x1, s12  }
0xf: {  	p2 =	sne.s32 s12, s6  }
.Ltmp1:
0x10: {  	_ = 	snop;
	(pc) =	sbr.rel @!p2 .LBB2_11-.Ltmp1, $1  }
0x11: {  	_ =	sdelay $0x3  }
.LBB2_1:
0x12: {  	[tilespmem:s7], [sflag:$0x3] =	stream.linear.gather [hbm4b:s4+s7], $0x80, $0x38;
	[tilespmem:$0x1100] =	vst v63  }
0x13: {  	_ =	swait.ge [sflag:s8], $0x80  }
0x14: {  	[sflag:s8] =	ssyncset.done $0x0  }
.Ltmp2:
0x15: {  	[sflag:s8] =	ssyncadd.s32 $0xFFFFFF80;
	(pc) =	sbr.rel @p0 .LBB2_6-.Ltmp2, $4  }
0x16: {  	[tilespmem:s9], [sflag:$0x3] =	stream.linear.gather [hbm4b:s5+s7], $0x80, $0x38;
	[tilespmem:$0x1100] =	vst v63  }
0x17: {  	_ =	swait.ge [sflag:s8], $0x80  }
0x18: {  	[sflag:s8] =	ssyncset.done $0x0  }
0x19: {  	[sflag:s8] =	ssyncadd.s32 $0xFFFFFF80  }
.Ltmp3:
0x1a: {  	(pc) =	sbr.rel @p1 .LBB2_10-.Ltmp3, $1  }
0x1b: {  	_ =	sdelay $0x3  }
0x1c: {  	v1 =	vld [tilespmem:$0x0];
	_ =	sdelay $0x4  }
0x1d: {  	v0 =	vbroadcast v1, $0x1;
	v2 =	vbroadcast v1, $0x2;
	_ =	sdelay $0x1  }
0x1e: {  	v0 =	vsel vm0, v2, v0  }
0x1f: {  	v1 =	vsel vm1, v1, v0  }
0x20: {  	s13 =	simm.s32 $0x80;
	s14 =	simm.s32 $0x10;
	[tilespmem:$0x100] =	vst v1  }
.LBB2_4:
0x21: {  	p2 =	sne.s32 s13, $0x1F40;
	[tilespmem:s14+$0x100] =	vst v0;
	s14 =	smov.u32 s13;
	s13 =	sadd.s32 $0x40, s13  }
.Ltmp4:
0x22: {  	(pc) =	sbr.rel @p2 .LBB2_4-.Ltmp4, $2  }
0x23: {  	_ =	sdelay $0x2  }
0x24: {  	s14 =	sshra.s32 s14, $0x2  }
.Ltmp5:
0x25: {  	(pc) =	sbr.rel .LBB2_9-.Ltmp5, $3  }
0x26: {  	_ =	sdelay $0x1  }
0x27: {  	[tilespmem:s14+$0x100] =	vst v0;
	s13 =	simm.s32 $0x1  }
0x28: {  	[hbm4b:s1+s7] =	stream.linear.scatter [tilespmem:s11], [sflag:$0x1], $0x7D1, $0x38;
	[tilespmem:$0x1100] =	vst v63  }
.LBB2_6:
0x29: {  	v1 =	vld [tilespmem:$0x80];
	_ =	sdelay $0x4  }
0x2a: {  	v0 =	vbroadcast v1, $0x1;
	v2 =	vbroadcast v1, $0x2;
	_ =	sdelay $0x1  }
0x2b: {  	v0 =	vsel vm0, v2, v0  }
0x2c: {  	v1 =	vsel vm1, v1, v0  }
0x2d: {  	s13 =	simm.s32 $0x80;
	s14 =	simm.s32 $0x10;
	[tilespmem:$0x900] =	vst v1  }
.LBB2_7:
0x2e: {  	p2 =	sne.s32 s13, $0x1F40;
	[tilespmem:s14+$0x900] =	vst v0;
	s14 =	smov.u32 s13;
	s13 =	sadd.s32 $0x40, s13  }
.Ltmp6:
0x2f: {  	(pc) =	sbr.rel @p2 .LBB2_7-.Ltmp6, $2  }
0x30: {  	_ =	sdelay $0x2  }
0x31: {  	s14 =	sshra.s32 s14, $0x2  }
.Ltmp7:
0x32: {  	(pc) =	sbr.rel .LBB2_9-.Ltmp7, $3  }
0x33: {  	_ =	sdelay $0x1  }
0x34: {  	[tilespmem:s14+$0x900] =	vst v0;
	s13 =	simm.s32 $0x2  }
0x35: {  	[hbm4b:s2+s7] =	stream.linear.scatter [tilespmem:s10], [sflag:$0x2], $0x7D1, $0x38;
	[tilespmem:$0x1100] =	vst v63  }
.LBB2_11:
0x36: {  	_ =	sfence.sel $0x180000  }
0x37: {  	[bflag:$0x0] =	sbarrier.arrive $0xFFFF  }
0x38: {  	p0 =	sne.s32 s3, $0x0;
	_ =	strace $0x90000047  }
0x39: {  	s0 =	sadd.s32 @!p0 $0x100000, s0;
	[bflag:$0x2] =	sbarrier.arrive $0xFFFF  }
0x3a: {  	[sflag:s0] =	ssyncadd.tile.s32 @!p0 $0x1;
	_ =	shalt  }
.Lfunc_end2:
_tile_overlayer_lowered:
.L_overlay_start_2:
0x3b: {  	(tag) =	ssettag $0x2  }
0x3c: {  	s0 =	rddreg [dreg:$0x0];
	s2 =	stileid.u32  }
0x3d: {  	s1 =	rddreg [dreg:$0x1];
	p0 =	sne.s32 s2, $0x0  }
0x3e: {  	s3 =	rddreg [dreg:$0x2];
	[bflag:$0x3] =	sbarrier.arrive $0xFFFF;
	s2 =	simm.s32 @!p0 $0x1C03  }
0x3f: {  	[timem:s3], [sflag:s2] =	dma.local @!p0 [hbm:s0], s1  }
0x40: {  	s0 =	simm.s32 @!p0 $0x3  }
0x41: {  	_ =	swait.ge @!p0 [sflag:s0], s1  }
0x42: {  	s1 =	ssub.s32 @!p0 $0x0, s1;
	[sflag:s0] =	ssyncset.done @!p0 $0x0  }
0x43: {  	[sflag:s0] =	ssyncadd.s32 @!p0 s1  }
0x44: {  	[bflag:$0x3] =	sbarrier.arrive $0xFFFF  }
0x45: {  	_ =	shalt  }

</sc_bundles>
